<compile_context>
chip_gen: v7x
topology: tpu7x:2x2x1
jax: 0.10.2.dev20260603
libtpu: 0.0.44.dev20260713+nightly
codegen_flags: <defaults>
</compile_context>

<pallas_src>
import functools

import jax
import jax.numpy as jnp
from jax import lax
from jax.experimental import pallas as pl
from jax.experimental.pallas import tpu as pltpu
from jax.experimental.pallas import tpu_sc as plsc

_EMBED = 4096
_E = 64
_K = 8
_ROWS = 512
_N_ROWS = 16384
_CHUNKS = 1
_CHUNK = _N_ROWS // _CHUNKS



def _logits_topk_block(x_ref, w_ref, b_ref, wv_ref, ti_ref, idx_ref):
    x = x_ref[...]
    w = w_ref[...]
    logits = jax.lax.dot_general(
        x, w, (((1,), (1,)), ((), ())), preferred_element_type=jnp.float32
    ) + b_ref[...]

    lt = logits.T
    rows = jax.lax.broadcasted_iota(jnp.int32, lt.shape, 0)
    vals = lt
    maxes = []
    idxs = []
    for _ in range(_K):
        m = jnp.max(vals, axis=0, keepdims=True)
        a = jnp.min(jnp.where(vals == m, rows, _E), axis=0, keepdims=True)
        maxes.append(m)
        idxs.append(a)
        vals = jnp.where(rows == a, -jnp.inf, vals)

    e = [jnp.ones_like(maxes[0])] + [jnp.exp(m - maxes[0]) for m in maxes[1:]]
    denom = functools.reduce(jnp.add, e)
    ids = jnp.concatenate(idxs, axis=0)
    wv_ref[...] = jnp.concatenate(e, axis=0) / denom
    ti_ref[...] = ids
    idx_ref[...] = ids.T


def _tc_logits_topk(flat, weight, bias2d, chunk_idx):
    blocks = _CHUNK // _ROWS
    off = chunk_idx * blocks
    return pl.pallas_call(
        _logits_topk_block,
        grid=(blocks,),
        in_specs=[
            pl.BlockSpec((_ROWS, _EMBED), lambda i: (off + i, 0)),
            pl.BlockSpec((_E, _EMBED), lambda i: (0, 0)),
            pl.BlockSpec((1, _E), lambda i: (0, 0)),
        ],
        out_specs=[
            pl.BlockSpec((_K, _ROWS), lambda i: (0, i)),
            pl.BlockSpec((_K, _ROWS), lambda i: (0, i)),
            pl.BlockSpec((_ROWS, _K), lambda i: (i, 0)),
        ],
        out_shape=[
            jax.ShapeDtypeStruct((_K, _CHUNK), jnp.float32),
            jax.ShapeDtypeStruct((_K, _CHUNK), jnp.int32),
            jax.ShapeDtypeStruct((_CHUNK, _K), jnp.int32),
        ],
    )(flat, weight, bias2d)



_SC_INFO = plsc.get_sparse_core_info()
_NW = _SC_INFO.num_cores * _SC_INFO.num_subcores
_RPW = _CHUNK // _NW
_LANES = 16


def _sc_route(w_hbm, ti_hbm, scores_hbm, w_v, ti_v, sc_v, sem):
    wid = lax.axis_index("s") * _SC_INFO.num_cores + lax.axis_index("c")
    base = wid * _RPW

    cp_w = pltpu.async_copy(w_hbm.at[:, pl.ds(base, _RPW)], w_v, sem)
    cp_t = pltpu.async_copy(ti_hbm.at[:, pl.ds(base, _RPW)], ti_v, sem)

    zeros = jnp.zeros((_LANES,), jnp.float32)

    def _zero(i, _):
        sc_v[pl.ds(i * _LANES, _LANES)] = zeros
        return ()

    lax.fori_loop(0, _RPW * _E // _LANES, _zero, (), unroll=8)
    cp_w.wait()
    cp_t.wait()

    lane = lax.iota(jnp.int32, _LANES)

    def _group(g, _):
        sbase = (g * _LANES + lane) * _E
        for k in range(_K):
            wv = w_v[k, pl.ds(g * _LANES, _LANES)]
            ti = ti_v[k, pl.ds(g * _LANES, _LANES)]
            plsc.store_scatter(sc_v, [sbase + ti], wv)
        return ()

    lax.fori_loop(0, _RPW // _LANES, _group, (), unroll=2)

    pltpu.sync_copy(sc_v, scores_hbm.at[pl.ds(base * _E, _RPW * _E)])


def _sc_stage(wv, ti):
    mesh = plsc.VectorSubcoreMesh(core_axis_name="c", subcore_axis_name="s")
    fn = functools.partial(
        pl.kernel,
        mesh=mesh,
        compiler_params=pltpu.CompilerParams(needs_layout_passes=False),
        out_type=jax.ShapeDtypeStruct((_CHUNK * _E,), jnp.float32),
        scratch_types=[
            pltpu.VMEM((_K, _RPW), jnp.float32),
            pltpu.VMEM((_K, _RPW), jnp.int32),
            pltpu.VMEM((_RPW * _E,), jnp.float32),
            pltpu.SemaphoreType.DMA,
        ],
    )(_sc_route)
    return fn(wv, ti)


def kernel(hidden_states, weight, bias):
    flat = hidden_states.reshape(-1, _EMBED)
    bias2d = bias.reshape(1, _E)
    scores_parts = []
    idx_parts = []
    for c in range(_CHUNKS):
        wv, ti, idx = _tc_logits_topk(flat, weight, bias2d, c)
        scores_parts.append(_sc_stage(wv, ti).reshape(_CHUNK, _E))
        idx_parts.append(idx)
    if _CHUNKS == 1:
        return (scores_parts[0], idx_parts[0])
    return (
        jnp.concatenate(scores_parts, axis=0),
        jnp.concatenate(idx_parts, axis=0),
    )

# --- scband reference (transcript-rebuilt; emitter-appended) ---
"""Pipeline reference for scband-moerouter-46462956208972 (READ-ONLY COPY).

The authoritative reference and input builder live on the scoring server;
editing this copy changes nothing except your own understanding.
"""

import jax, jax.numpy as jnp
import numpy as np

EMBED_DIM = 4096
NUM_EXPERTS = 64
TOP_K = 8


def setup_inputs(seed: int = 0) -> dict:
    key = jax.random.key(seed)
    k1, k2, k3 = jax.random.split(key, 3)
    hidden_states = jax.random.normal(k1, (4, 4096, EMBED_DIM), dtype=jnp.float32)
    weight = jax.random.normal(k2, (NUM_EXPERTS, EMBED_DIM), dtype=jnp.float32) * 0.02
    bias = jax.random.normal(k3, (NUM_EXPERTS,), dtype=jnp.float32) * 0.02
    return {"hidden_states": hidden_states, "weight": weight, "bias": bias}


def reference(hidden_states, weight, bias):
    flat = hidden_states.reshape(-1, EMBED_DIM)
    router_logits = flat @ weight.T + bias
    top_k = min(TOP_K, NUM_EXPERTS)
    router_top_value, router_indices = jax.lax.top_k(router_logits, top_k)
    router_top_value = jax.nn.softmax(router_top_value, axis=-1)
    rows = jnp.arange(flat.shape[0])[:, None]
    router_scores = jnp.zeros_like(router_logits).at[rows, router_indices].set(router_top_value)
    return (router_scores, router_indices)

if __name__ == "__main__":
    import jax
    _d = setup_inputs()
    print(jax.jit(kernel)(*tuple(_d.values())))

</pallas_src>

<mosaic_0001>
#map = affine_map<(d0, d1) -> (0, 0)>
#map1 = affine_map<(d0, d1) -> (0)>
module attributes {stable_mosaic.version = 14 : i64} {
  func.func @_sc_route(%arg0: i32, %arg1: i32, %arg2: memref<8x16384xf32, #tpu.memory_space<hbm>>, %arg3: memref<8x16384xi32, #tpu.memory_space<hbm>>, %arg4: memref<1048576xf32, #tpu.memory_space<hbm>>, %arg5: memref<8x512xf32, #tpu.memory_space<vmem>>, %arg6: memref<8x512xi32, #tpu.memory_space<vmem>>, %arg7: memref<32768xf32, #tpu.memory_space<vmem>>, %arg8: memref<!tpu.dma_semaphore, #tpu.memory_space<semaphore_mem>>) attributes {dimension_semantics = [#tpu.dimension_semantics<core_parallel>, #tpu.dimension_semantics<subcore_parallel>], iteration_bounds = array<i64: 2, 16>, scalar_prefetch = 0 : i64, scratch_operands = 4 : i64, tpu.core_type = #tpu.core_type<sc_vector_subcore>, window_params = [{transform_indices = #map}, {transform_indices = #map}, {transform_indices = #map1}]} {
    %mul3A = arith.constant 2 : i32
    %mul3A_0 = arith.muli %arg1, %mul3A : i32
    %add3A = arith.addi %mul3A_0, %arg0 : i32
    %mul3A_1 = arith.constant 512 : i32
    %mul3A_2 = arith.muli %add3A, %mul3A_1 : i32
    %dma_start3A = arith.constant 0 : i32
    %dma_start3A_3 = tpu.memref_slice %arg2[%dma_start3A, %mul3A_2] : memref<8x16384xf32, #tpu.memory_space<hbm>> -> memref<8x512xf32, #tpu.memory_space<hbm>>
    %dma_start3A_4 = arith.constant 0 : i32
    %dma_start3A_5 = tpu.memref_slice %arg2[%dma_start3A_4, %mul3A_2] : memref<8x16384xf32, #tpu.memory_space<hbm>> -> memref<8x512xf32, #tpu.memory_space<hbm>>
    tpu.enqueue_dma source(%dma_start3A_5 : memref<8x512xf32, #tpu.memory_space<hbm>>) target(%arg5 : memref<8x512xf32, #tpu.memory_space<vmem>>) target_semaphore(%arg8 : memref<!tpu.dma_semaphore, #tpu.memory_space<semaphore_mem>>)
    %dma_start3A_6 = arith.constant 0 : i32
    %dma_start3A_7 = tpu.memref_slice %arg3[%dma_start3A_6, %mul3A_2] : memref<8x16384xi32, #tpu.memory_space<hbm>> -> memref<8x512xi32, #tpu.memory_space<hbm>>
    %dma_start3A_8 = arith.constant 0 : i32
    %dma_start3A_9 = tpu.memref_slice %arg3[%dma_start3A_8, %mul3A_2] : memref<8x16384xi32, #tpu.memory_space<hbm>> -> memref<8x512xi32, #tpu.memory_space<hbm>>
    tpu.enqueue_dma source(%dma_start3A_9 : memref<8x512xi32, #tpu.memory_space<hbm>>) target(%arg6 : memref<8x512xi32, #tpu.memory_space<vmem>>) target_semaphore(%arg8 : memref<!tpu.dma_semaphore, #tpu.memory_space<semaphore_mem>>)
    %broadcast_in_dim3A = arith.constant 0.000000e+00 : f32
    %broadcast_in_dim3A_10 = vector.broadcast %broadcast_in_dim3A : f32 to vector<16xf32>
    %scan3A = arith.constant 0 : i32
    %scan3A_11 = arith.constant 2048 : i32
    %scan3A_12 = arith.addi %scan3A, %scan3A_11 : i32
    %scan3A_13 = arith.constant 8 : i32
    scf.for %scan3A_29 = %scan3A to %scan3A_12 step %scan3A_13  : i32 {
      %mul3A_30 = arith.constant 16 : i32
      %mul3A_31 = arith.muli %scan3A_29, %mul3A_30 : i32
      %swap3A = arith.index_cast %mul3A_31 : i32 to index
      %swap3A_32 = tpu.vector_load %arg7[%swap3A] {strides = array<i32>} : memref<32768xf32, #tpu.memory_space<vmem>>, vector<16xf32>,
      tpu.vector_store %arg7[%swap3A], %broadcast_in_dim3A_10 {strides = array<i32>} : memref<32768xf32, #tpu.memory_space<vmem>>, vector<16xf32>,
      %scan3A_33 = arith.constant 1 : i32
      %scan3A_34 = arith.addi %scan3A_29, %scan3A_33 : i32
      %mul3A_35 = arith.constant 16 : i32
      %mul3A_36 = arith.muli %scan3A_34, %mul3A_35 : i32
      %swap3A_37 = arith.index_cast %mul3A_36 : i32 to index
      %swap3A_38 = tpu.vector_load %arg7[%swap3A_37] {strides = array<i32>} : memref<32768xf32, #tpu.memory_space<vmem>>, vector<16xf32>,
      tpu.vector_store %arg7[%swap3A_37], %broadcast_in_dim3A_10 {strides = array<i32>} : memref<32768xf32, #tpu.memory_space<vmem>>, vector<16xf32>,
      %scan3A_39 = arith.constant 2 : i32
      %scan3A_40 = arith.addi %scan3A_29, %scan3A_39 : i32
      %mul3A_41 = arith.constant 16 : i32
      %mul3A_42 = arith.muli %scan3A_40, %mul3A_41 : i32
      %swap3A_43 = arith.index_cast %mul3A_42 : i32 to index
      %swap3A_44 = tpu.vector_load %arg7[%swap3A_43] {strides = array<i32>} : memref<32768xf32, #tpu.memory_space<vmem>>, vector<16xf32>,
      tpu.vector_store %arg7[%swap3A_43], %broadcast_in_dim3A_10 {strides = array<i32>} : memref<32768xf32, #tpu.memory_space<vmem>>, vector<16xf32>,
      %scan3A_45 = arith.constant 3 : i32
      %scan3A_46 = arith.addi %scan3A_29, %scan3A_45 : i32
      %mul3A_47 = arith.constant 16 : i32
      %mul3A_48 = arith.muli %scan3A_46, %mul3A_47 : i32
      %swap3A_49 = arith.index_cast %mul3A_48 : i32 to index
      %swap3A_50 = tpu.vector_load %arg7[%swap3A_49] {strides = array<i32>} : memref<32768xf32, #tpu.memory_space<vmem>>, vector<16xf32>,
      tpu.vector_store %arg7[%swap3A_49], %broadcast_in_dim3A_10 {strides = array<i32>} : memref<32768xf32, #tpu.memory_space<vmem>>, vector<16xf32>,
      %scan3A_51 = arith.constant 4 : i32
      %scan3A_52 = arith.addi %scan3A_29, %scan3A_51 : i32
      %mul3A_53 = arith.constant 16 : i32
      %mul3A_54 = arith.muli %scan3A_52, %mul3A_53 : i32
      %swap3A_55 = arith.index_cast %mul3A_54 : i32 to index
      %swap3A_56 = tpu.vector_load %arg7[%swap3A_55] {strides = array<i32>} : memref<32768xf32, #tpu.memory_space<vmem>>, vector<16xf32>,
      tpu.vector_store %arg7[%swap3A_55], %broadcast_in_dim3A_10 {strides = array<i32>} : memref<32768xf32, #tpu.memory_space<vmem>>, vector<16xf32>,
      %scan3A_57 = arith.constant 5 : i32
      %scan3A_58 = arith.addi %scan3A_29, %scan3A_57 : i32
      %mul3A_59 = arith.constant 16 : i32
      %mul3A_60 = arith.muli %scan3A_58, %mul3A_59 : i32
      %swap3A_61 = arith.index_cast %mul3A_60 : i32 to index
      %swap3A_62 = tpu.vector_load %arg7[%swap3A_61] {strides = array<i32>} : memref<32768xf32, #tpu.memory_space<vmem>>, vector<16xf32>,
      tpu.vector_store %arg7[%swap3A_61], %broadcast_in_dim3A_10 {strides = array<i32>} : memref<32768xf32, #tpu.memory_space<vmem>>, vector<16xf32>,
      %scan3A_63 = arith.constant 6 : i32
      %scan3A_64 = arith.addi %scan3A_29, %scan3A_63 : i32
      %mul3A_65 = arith.constant 16 : i32
      %mul3A_66 = arith.muli %scan3A_64, %mul3A_65 : i32
      %swap3A_67 = arith.index_cast %mul3A_66 : i32 to index
      %swap3A_68 = tpu.vector_load %arg7[%swap3A_67] {strides = array<i32>} : memref<32768xf32, #tpu.memory_space<vmem>>, vector<16xf32>,
      tpu.vector_store %arg7[%swap3A_67], %broadcast_in_dim3A_10 {strides = array<i32>} : memref<32768xf32, #tpu.memory_space<vmem>>, vector<16xf32>,
      %scan3A_69 = arith.constant 7 : i32
      %scan3A_70 = arith.addi %scan3A_29, %scan3A_69 : i32
      %mul3A_71 = arith.constant 16 : i32
      %mul3A_72 = arith.muli %scan3A_70, %mul3A_71 : i32
      %swap3A_73 = arith.index_cast %mul3A_72 : i32 to index
      %swap3A_74 = tpu.vector_load %arg7[%swap3A_73] {strides = array<i32>} : memref<32768xf32, #tpu.memory_space<vmem>>, vector<16xf32>,
      tpu.vector_store %arg7[%swap3A_73], %broadcast_in_dim3A_10 {strides = array<i32>} : memref<32768xf32, #tpu.memory_space<vmem>>, vector<16xf32>,
    }
    %scan3A_14 = arith.constant 2048 : i32
    %dma_wait3A = arith.constant 0 : i32
    %dma_wait3A_15 = tpu.memref_slice %arg2[%dma_wait3A, %mul3A_2] : memref<8x16384xf32, #tpu.memory_space<hbm>> -> memref<8x512xf32, #tpu.memory_space<hbm>>
    %dma_wait3A_16 = arith.constant 0 : i32
    %dma_wait3A_17 = tpu.memref_slice %arg2[%dma_wait3A_16, %mul3A_2] : memref<8x16384xf32, #tpu.memory_space<hbm>> -> memref<8x512xf32, #tpu.memory_space<hbm>>
    tpu.wait_dma2 semaphore(%arg8 : memref<!tpu.dma_semaphore, #tpu.memory_space<semaphore_mem>>) src(%dma_wait3A_17 : memref<8x512xf32, #tpu.memory_space<hbm>>) dst(%arg5 : memref<8x512xf32, #tpu.memory_space<vmem>>)
    %dma_wait3A_18 = arith.constant 0 : i32
    %dma_wait3A_19 = tpu.memref_slice %arg3[%dma_wait3A_18, %mul3A_2] : memref<8x16384xi32, #tpu.memory_space<hbm>> -> memref<8x512xi32, #tpu.memory_space<hbm>>
    %dma_wait3A_20 = arith.constant 0 : i32
    %dma_wait3A_21 = tpu.memref_slice %arg3[%dma_wait3A_20, %mul3A_2] : memref<8x16384xi32, #tpu.memory_space<hbm>> -> memref<8x512xi32, #tpu.memory_space<hbm>>
    tpu.wait_dma2 semaphore(%arg8 : memref<!tpu.dma_semaphore, #tpu.memory_space<semaphore_mem>>) src(%dma_wait3A_21 : memref<8x512xi32, #tpu.memory_space<hbm>>) dst(%arg6 : memref<8x512xi32, #tpu.memory_space<vmem>>)
    %iota3A = tpu.iota {dimensions = array<i32: 0>} : vector<16xi32>
    %scan3A_22 = arith.constant 0 : i32
    %scan3A_23 = arith.constant 32 : i32
    %scan3A_24 = arith.addi %scan3A_22, %scan3A_23 : i32
    %scan3A_25 = arith.constant 2 : i32
    scf.for %scan3A_29 = %scan3A_22 to %scan3A_24 step %scan3A_25  : i32 {
      %mul3A_30 = arith.constant 16 : i32
      %mul3A_31 = arith.muli %scan3A_29, %mul3A_30 : i32
      %add3A_32 = vector.broadcast %mul3A_31 : i32 to vector<16xi32>
      %add3A_33 = arith.addi %add3A_32, %iota3A : vector<16xi32>
      %mul3A_34 = arith.constant 64 : i32
      %mul3A_35 = vector.broadcast %mul3A_34 : i32 to vector<16xi32>
      %mul3A_36 = arith.muli %add3A_33, %mul3A_35 : vector<16xi32>
      %mul3A_37 = arith.constant 16 : i32
      %mul3A_38 = arith.muli %scan3A_29, %mul3A_37 : i32
      %get3A = arith.constant 0 : i32
      %get3A_39 = arith.index_cast %get3A : i32 to index
      %get3A_40 = arith.index_cast %mul3A_38 : i32 to index
      %get3A_41 = tpu.vector_load %arg5[%get3A_39, %get3A_40] {strides = array<i32>} : memref<8x512xf32, #tpu.memory_space<vmem>>, vector<16xf32>,
      %mul3A_42 = arith.constant 16 : i32
      %mul3A_43 = arith.muli %scan3A_29, %mul3A_42 : i32
      %get3A_44 = arith.constant 0 : i32
      %get3A_45 = arith.index_cast %get3A_44 : i32 to index
      %get3A_46 = arith.index_cast %mul3A_43 : i32 to index
      %get3A_47 = tpu.vector_load %arg6[%get3A_45, %get3A_46] {strides = array<i32>} : memref<8x512xi32, #tpu.memory_space<vmem>>, vector<16xi32>,
      %add3A_48 = arith.addi %mul3A_36, %get3A_47 : vector<16xi32>
      tpu.vector_store_idx %arg7[%add3A_48], %get3A_41 : memref<32768xf32, #tpu.memory_space<vmem>>[vector<16xi32>], vector<16xf32>,
      %mul3A_49 = arith.constant 16 : i32
      %mul3A_50 = arith.muli %scan3A_29, %mul3A_49 : i32
      %get3A_51 = arith.constant 1 : i32
      %get3A_52 = arith.index_cast %get3A_51 : i32 to index
      %get3A_53 = arith.index_cast %mul3A_50 : i32 to index
      %get3A_54 = tpu.vector_load %arg5[%get3A_52, %get3A_53] {strides = array<i32>} : memref<8x512xf32, #tpu.memory_space<vmem>>, vector<16xf32>,
      %mul3A_55 = arith.constant 16 : i32
      %mul3A_56 = arith.muli %scan3A_29, %mul3A_55 : i32
      %get3A_57 = arith.constant 1 : i32
      %get3A_58 = arith.index_cast %get3A_57 : i32 to index
      %get3A_59 = arith.index_cast %mul3A_56 : i32 to index
      %get3A_60 = tpu.vector_load %arg6[%get3A_58, %get3A_59] {strides = array<i32>} : memref<8x512xi32, #tpu.memory_space<vmem>>, vector<16xi32>,
      %add3A_61 = arith.addi %mul3A_36, %get3A_60 : vector<16xi32>
      tpu.vector_store_idx %arg7[%add3A_61], %get3A_54 : memref<32768xf32, #tpu.memory_space<vmem>>[vector<16xi32>], vector<16xf32>,
      %mul3A_62 = arith.constant 16 : i32
      %mul3A_63 = arith.muli %scan3A_29, %mul3A_62 : i32
      %get3A_64 = arith.constant 2 : i32
      %get3A_65 = arith.index_cast %get3A_64 : i32 to index
      %get3A_66 = arith.index_cast %mul3A_63 : i32 to index
      %get3A_67 = tpu.vector_load %arg5[%get3A_65, %get3A_66] {strides = array<i32>} : memref<8x512xf32, #tpu.memory_space<vmem>>, vector<16xf32>,
      %mul3A_68 = arith.constant 16 : i32
      %mul3A_69 = arith.muli %scan3A_29, %mul3A_68 : i32
      %get3A_70 = arith.constant 2 : i32
      %get3A_71 = arith.index_cast %get3A_70 : i32 to index
      %get3A_72 = arith.index_cast %mul3A_69 : i32 to index
      %get3A_73 = tpu.vector_load %arg6[%get3A_71, %get3A_72] {strides = array<i32>} : memref<8x512xi32, #tpu.memory_space<vmem>>, vector<16xi32>,
      %add3A_74 = arith.addi %mul3A_36, %get3A_73 : vector<16xi32>
      tpu.vector_store_idx %arg7[%add3A_74], %get3A_67 : memref<32768xf32, #tpu.memory_space<vmem>>[vector<16xi32>], vector<16xf32>,
      %mul3A_75 = arith.constant 16 : i32
      %mul3A_76 = arith.muli %scan3A_29, %mul3A_75 : i32
      %get3A_77 = arith.constant 3 : i32
      %get3A_78 = arith.index_cast %get3A_77 : i32 to index
      %get3A_79 = arith.index_cast %mul3A_76 : i32 to index
      %get3A_80 = tpu.vector_load %arg5[%get3A_78, %get3A_79] {strides = array<i32>} : memref<8x512xf32, #tpu.memory_space<vmem>>, vector<16xf32>,
      %mul3A_81 = arith.constant 16 : i32
      %mul3A_82 = arith.muli %scan3A_29, %mul3A_81 : i32
      %get3A_83 = arith.constant 3 : i32
      %get3A_84 = arith.index_cast %get3A_83 : i32 to index
      %get3A_85 = arith.index_cast %mul3A_82 : i32 to index
      %get3A_86 = tpu.vector_load %arg6[%get3A_84, %get3A_85] {strides = array<i32>} : memref<8x512xi32, #tpu.memory_space<vmem>>, vector<16xi32>,
      %add3A_87 = arith.addi %mul3A_36, %get3A_86 : vector<16xi32>
      tpu.vector_store_idx %arg7[%add3A_87], %get3A_80 : memref<32768xf32, #tpu.memory_space<vmem>>[vector<16xi32>], vector<16xf32>,
      %mul3A_88 = arith.constant 16 : i32
      %mul3A_89 = arith.muli %scan3A_29, %mul3A_88 : i32
      %get3A_90 = arith.constant 4 : i32
      %get3A_91 = arith.index_cast %get3A_90 : i32 to index
      %get3A_92 = arith.index_cast %mul3A_89 : i32 to index
      %get3A_93 = tpu.vector_load %arg5[%get3A_91, %get3A_92] {strides = array<i32>} : memref<8x512xf32, #tpu.memory_space<vmem>>, vector<16xf32>,
      %mul3A_94 = arith.constant 16 : i32
      %mul3A_95 = arith.muli %scan3A_29, %mul3A_94 : i32
      %get3A_96 = arith.constant 4 : i32
      %get3A_97 = arith.index_cast %get3A_96 : i32 to index
      %get3A_98 = arith.index_cast %mul3A_95 : i32 to index
      %get3A_99 = tpu.vector_load %arg6[%get3A_97, %get3A_98] {strides = array<i32>} : memref<8x512xi32, #tpu.memory_space<vmem>>, vector<16xi32>,
      %add3A_100 = arith.addi %mul3A_36, %get3A_99 : vector<16xi32>
      tpu.vector_store_idx %arg7[%add3A_100], %get3A_93 : memref<32768xf32, #tpu.memory_space<vmem>>[vector<16xi32>], vector<16xf32>,
      %mul3A_101 = arith.constant 16 : i32
      %mul3A_102 = arith.muli %scan3A_29, %mul3A_101 : i32
      %get3A_103 = arith.constant 5 : i32
      %get3A_104 = arith.index_cast %get3A_103 : i32 to index
      %get3A_105 = arith.index_cast %mul3A_102 : i32 to index
      %get3A_106 = tpu.vector_load %arg5[%get3A_104, %get3A_105] {strides = array<i32>} : memref<8x512xf32, #tpu.memory_space<vmem>>, vector<16xf32>,
      %mul3A_107 = arith.constant 16 : i32
      %mul3A_108 = arith.muli %scan3A_29, %mul3A_107 : i32
      %get3A_109 = arith.constant 5 : i32
      %get3A_110 = arith.index_cast %get3A_109 : i32 to index
      %get3A_111 = arith.index_cast %mul3A_108 : i32 to index
      %get3A_112 = tpu.vector_load %arg6[%get3A_110, %get3A_111] {strides = array<i32>} : memref<8x512xi32, #tpu.memory_space<vmem>>, vector<16xi32>,
      %add3A_113 = arith.addi %mul3A_36, %get3A_112 : vector<16xi32>
      tpu.vector_store_idx %arg7[%add3A_113], %get3A_106 : memref<32768xf32, #tpu.memory_space<vmem>>[vector<16xi32>], vector<16xf32>,
      %mul3A_114 = arith.constant 16 : i32
      %mul3A_115 = arith.muli %scan3A_29, %mul3A_114 : i32
      %get3A_116 = arith.constant 6 : i32
      %get3A_117 = arith.index_cast %get3A_116 : i32 to index
      %get3A_118 = arith.index_cast %mul3A_115 : i32 to index
      %get3A_119 = tpu.vector_load %arg5[%get3A_117, %get3A_118] {strides = array<i32>} : memref<8x512xf32, #tpu.memory_space<vmem>>, vector<16xf32>,
      %mul3A_120 = arith.constant 16 : i32
      %mul3A_121 = arith.muli %scan3A_29, %mul3A_120 : i32
      %get3A_122 = arith.constant 6 : i32
      %get3A_123 = arith.index_cast %get3A_122 : i32 to index
      %get3A_124 = arith.index_cast %mul3A_121 : i32 to index
      %get3A_125 = tpu.vector_load %arg6[%get3A_123, %get3A_124] {strides = array<i32>} : memref<8x512xi32, #tpu.memory_space<vmem>>, vector<16xi32>,
      %add3A_126 = arith.addi %mul3A_36, %get3A_125 : vector<16xi32>
      tpu.vector_store_idx %arg7[%add3A_126], %get3A_119 : memref<32768xf32, #tpu.memory_space<vmem>>[vector<16xi32>], vector<16xf32>,
      %mul3A_127 = arith.constant 16 : i32
      %mul3A_128 = arith.muli %scan3A_29, %mul3A_127 : i32
      %get3A_129 = arith.constant 7 : i32
      %get3A_130 = arith.index_cast %get3A_129 : i32 to index
      %get3A_131 = arith.index_cast %mul3A_128 : i32 to index
      %get3A_132 = tpu.vector_load %arg5[%get3A_130, %get3A_131] {strides = array<i32>} : memref<8x512xf32, #tpu.memory_space<vmem>>, vector<16xf32>,
      %mul3A_133 = arith.constant 16 : i32
      %mul3A_134 = arith.muli %scan3A_29, %mul3A_133 : i32
      %get3A_135 = arith.constant 7 : i32
      %get3A_136 = arith.index_cast %get3A_135 : i32 to index
      %get3A_137 = arith.index_cast %mul3A_134 : i32 to index
      %get3A_138 = tpu.vector_load %arg6[%get3A_136, %get3A_137] {strides = array<i32>} : memref<8x512xi32, #tpu.memory_space<vmem>>, vector<16xi32>,
      %add3A_139 = arith.addi %mul3A_36, %get3A_138 : vector<16xi32>
      tpu.vector_store_idx %arg7[%add3A_139], %get3A_132 : memref<32768xf32, #tpu.memory_space<vmem>>[vector<16xi32>], vector<16xf32>,
      %scan3A_140 = arith.constant 1 : i32
      %scan3A_141 = arith.addi %scan3A_29, %scan3A_140 : i32
      %mul3A_142 = arith.constant 16 : i32
      %mul3A_143 = arith.muli %scan3A_141, %mul3A_142 : i32
      %add3A_144 = vector.broadcast %mul3A_143 : i32 to vector<16xi32>
      %add3A_145 = arith.addi %add3A_144, %iota3A : vector<16xi32>
      %mul3A_146 = arith.constant 64 : i32
      %mul3A_147 = vector.broadcast %mul3A_146 : i32 to vector<16xi32>
      %mul3A_148 = arith.muli %add3A_145, %mul3A_147 : vector<16xi32>
      %mul3A_149 = arith.constant 16 : i32
      %mul3A_150 = arith.muli %scan3A_141, %mul3A_149 : i32
      %get3A_151 = arith.constant 0 : i32
      %get3A_152 = arith.index_cast %get3A_151 : i32 to index
      %get3A_153 = arith.index_cast %mul3A_150 : i32 to index
      %get3A_154 = tpu.vector_load %arg5[%get3A_152, %get3A_153] {strides = array<i32>} : memref<8x512xf32, #tpu.memory_space<vmem>>, vector<16xf32>,
      %mul3A_155 = arith.constant 16 : i32
      %mul3A_156 = arith.muli %scan3A_141, %mul3A_155 : i32
      %get3A_157 = arith.constant 0 : i32
      %get3A_158 = arith.index_cast %get3A_157 : i32 to index
      %get3A_159 = arith.index_cast %mul3A_156 : i32 to index
      %get3A_160 = tpu.vector_load %arg6[%get3A_158, %get3A_159] {strides = array<i32>} : memref<8x512xi32, #tpu.memory_space<vmem>>, vector<16xi32>,
      %add3A_161 = arith.addi %mul3A_148, %get3A_160 : vector<16xi32>
      tpu.vector_store_idx %arg7[%add3A_161], %get3A_154 : memref<32768xf32, #tpu.memory_space<vmem>>[vector<16xi32>], vector<16xf32>,
      %mul3A_162 = arith.constant 16 : i32
      %mul3A_163 = arith.muli %scan3A_141, %mul3A_162 : i32
      %get3A_164 = arith.constant 1 : i32
      %get3A_165 = arith.index_cast %get3A_164 : i32 to index
      %get3A_166 = arith.index_cast %mul3A_163 : i32 to index
      %get3A_167 = tpu.vector_load %arg5[%get3A_165, %get3A_166] {strides = array<i32>} : memref<8x512xf32, #tpu.memory_space<vmem>>, vector<16xf32>,
      %mul3A_168 = arith.constant 16 : i32
      %mul3A_169 = arith.muli %scan3A_141, %mul3A_168 : i32
      %get3A_170 = arith.constant 1 : i32
      %get3A_171 = arith.index_cast %get3A_170 : i32 to index
      %get3A_172 = arith.index_cast %mul3A_169 : i32 to index
      %get3A_173 = tpu.vector_load %arg6[%get3A_171, %get3A_172] {strides = array<i32>} : memref<8x512xi32, #tpu.memory_space<vmem>>, vector<16xi32>,
      %add3A_174 = arith.addi %mul3A_148, %get3A_173 : vector<16xi32>
      tpu.vector_store_idx %arg7[%add3A_174], %get3A_167 : memref<32768xf32, #tpu.memory_space<vmem>>[vector<16xi32>], vector<16xf32>,
      %mul3A_175 = arith.constant 16 : i32
      %mul3A_176 = arith.muli %scan3A_141, %mul3A_175 : i32
      %get3A_177 = arith.constant 2 : i32
      %get3A_178 = arith.index_cast %get3A_177 : i32 to index
      %get3A_179 = arith.index_cast %mul3A_176 : i32 to index
      %get3A_180 = tpu.vector_load %arg5[%get3A_178, %get3A_179] {strides = array<i32>} : memref<8x512xf32, #tpu.memory_space<vmem>>, vector<16xf32>,
      %mul3A_181 = arith.constant 16 : i32
      %mul3A_182 = arith.muli %scan3A_141, %mul3A_181 : i32
      %get3A_183 = arith.constant 2 : i32
      %get3A_184 = arith.index_cast %get3A_183 : i32 to index
      %get3A_185 = arith.index_cast %mul3A_182 : i32 to index
      %get3A_186 = tpu.vector_load %arg6[%get3A_184, %get3A_185] {strides = array<i32>} : memref<8x512xi32, #tpu.memory_space<vmem>>, vector<16xi32>,
      %add3A_187 = arith.addi %mul3A_148, %get3A_186 : vector<16xi32>
      tpu.vector_store_idx %arg7[%add3A_187], %get3A_180 : memref<32768xf32, #tpu.memory_space<vmem>>[vector<16xi32>], vector<16xf32>,
      %mul3A_188 = arith.constant 16 : i32
      %mul3A_189 = arith.muli %scan3A_141, %mul3A_188 : i32
      %get3A_190 = arith.constant 3 : i32
      %get3A_191 = arith.index_cast %get3A_190 : i32 to index
      %get3A_192 = arith.index_cast %mul3A_189 : i32 to index
      %get3A_193 = tpu.vector_load %arg5[%get3A_191, %get3A_192] {strides = array<i32>} : memref<8x512xf32, #tpu.memory_space<vmem>>, vector<16xf32>,
      %mul3A_194 = arith.constant 16 : i32
      %mul3A_195 = arith.muli %scan3A_141, %mul3A_194 : i32
      %get3A_196 = arith.constant 3 : i32
      %get3A_197 = arith.index_cast %get3A_196 : i32 to index
      %get3A_198 = arith.index_cast %mul3A_195 : i32 to index
      %get3A_199 = tpu.vector_load %arg6[%get3A_197, %get3A_198] {strides = array<i32>} : memref<8x512xi32, #tpu.memory_space<vmem>>, vector<16xi32>,
      %add3A_200 = arith.addi %mul3A_148, %get3A_199 : vector<16xi32>
      tpu.vector_store_idx %arg7[%add3A_200], %get3A_193 : memref<32768xf32, #tpu.memory_space<vmem>>[vector<16xi32>], vector<16xf32>,
      %mul3A_201 = arith.constant 16 : i32
      %mul3A_202 = arith.muli %scan3A_141, %mul3A_201 : i32
      %get3A_203 = arith.constant 4 : i32
      %get3A_204 = arith.index_cast %get3A_203 : i32 to index
      %get3A_205 = arith.index_cast %mul3A_202 : i32 to index
      %get3A_206 = tpu.vector_load %arg5[%get3A_204, %get3A_205] {strides = array<i32>} : memref<8x512xf32, #tpu.memory_space<vmem>>, vector<16xf32>,
      %mul3A_207 = arith.constant 16 : i32
      %mul3A_208 = arith.muli %scan3A_141, %mul3A_207 : i32
      %get3A_209 = arith.constant 4 : i32
      %get3A_210 = arith.index_cast %get3A_209 : i32 to index
      %get3A_211 = arith.index_cast %mul3A_208 : i32 to index
      %get3A_212 = tpu.vector_load %arg6[%get3A_210, %get3A_211] {strides = array<i32>} : memref<8x512xi32, #tpu.memory_space<vmem>>, vector<16xi32>,
      %add3A_213 = arith.addi %mul3A_148, %get3A_212 : vector<16xi32>
      tpu.vector_store_idx %arg7[%add3A_213], %get3A_206 : memref<32768xf32, #tpu.memory_space<vmem>>[vector<16xi32>], vector<16xf32>,
      %mul3A_214 = arith.constant 16 : i32
      %mul3A_215 = arith.muli %scan3A_141, %mul3A_214 : i32
      %get3A_216 = arith.constant 5 : i32
      %get3A_217 = arith.index_cast %get3A_216 : i32 to index
      %get3A_218 = arith.index_cast %mul3A_215 : i32 to index
      %get3A_219 = tpu.vector_load %arg5[%get3A_217, %get3A_218] {strides = array<i32>} : memref<8x512xf32, #tpu.memory_space<vmem>>, vector<16xf32>,
      %mul3A_220 = arith.constant 16 : i32
      %mul3A_221 = arith.muli %scan3A_141, %mul3A_220 : i32
      %get3A_222 = arith.constant 5 : i32
      %get3A_223 = arith.index_cast %get3A_222 : i32 to index
      %get3A_224 = arith.index_cast %mul3A_221 : i32 to index
      %get3A_225 = tpu.vector_load %arg6[%get3A_223, %get3A_224] {strides = array<i32>} : memref<8x512xi32, #tpu.memory_space<vmem>>, vector<16xi32>,
      %add3A_226 = arith.addi %mul3A_148, %get3A_225 : vector<16xi32>
      tpu.vector_store_idx %arg7[%add3A_226], %get3A_219 : memref<32768xf32, #tpu.memory_space<vmem>>[vector<16xi32>], vector<16xf32>,
      %mul3A_227 = arith.constant 16 : i32
      %mul3A_228 = arith.muli %scan3A_141, %mul3A_227 : i32
      %get3A_229 = arith.constant 6 : i32
      %get3A_230 = arith.index_cast %get3A_229 : i32 to index
      %get3A_231 = arith.index_cast %mul3A_228 : i32 to index
      %get3A_232 = tpu.vector_load %arg5[%get3A_230, %get3A_231] {strides = array<i32>} : memref<8x512xf32, #tpu.memory_space<vmem>>, vector<16xf32>,
      %mul3A_233 = arith.constant 16 : i32
      %mul3A_234 = arith.muli %scan3A_141, %mul3A_233 : i32
      %get3A_235 = arith.constant 6 : i32
      %get3A_236 = arith.index_cast %get3A_235 : i32 to index
      %get3A_237 = arith.index_cast %mul3A_234 : i32 to index
      %get3A_238 = tpu.vector_load %arg6[%get3A_236, %get3A_237] {strides = array<i32>} : memref<8x512xi32, #tpu.memory_space<vmem>>, vector<16xi32>,
      %add3A_239 = arith.addi %mul3A_148, %get3A_238 : vector<16xi32>
      tpu.vector_store_idx %arg7[%add3A_239], %get3A_232 : memref<32768xf32, #tpu.memory_space<vmem>>[vector<16xi32>], vector<16xf32>,
      %mul3A_240 = arith.constant 16 : i32
      %mul3A_241 = arith.muli %scan3A_141, %mul3A_240 : i32
      %get3A_242 = arith.constant 7 : i32
      %get3A_243 = arith.index_cast %get3A_242 : i32 to index
      %get3A_244 = arith.index_cast %mul3A_241 : i32 to index
      %get3A_245 = tpu.vector_load %arg5[%get3A_243, %get3A_244] {strides = array<i32>} : memref<8x512xf32, #tpu.memory_space<vmem>>, vector<16xf32>,
      %mul3A_246 = arith.constant 16 : i32
      %mul3A_247 = arith.muli %scan3A_141, %mul3A_246 : i32
      %get3A_248 = arith.constant 7 : i32
      %get3A_249 = arith.index_cast %get3A_248 : i32 to index
      %get3A_250 = arith.index_cast %mul3A_247 : i32 to index
      %get3A_251 = tpu.vector_load %arg6[%get3A_249, %get3A_250] {strides = array<i32>} : memref<8x512xi32, #tpu.memory_space<vmem>>, vector<16xi32>,
      %add3A_252 = arith.addi %mul3A_148, %get3A_251 : vector<16xi32>
      tpu.vector_store_idx %arg7[%add3A_252], %get3A_245 : memref<32768xf32, #tpu.memory_space<vmem>>[vector<16xi32>], vector<16xf32>,
    }
    %scan3A_26 = arith.constant 32 : i32
    %mul3A_27 = arith.constant 64 : i32
    %mul3A_28 = arith.muli %mul3A_2, %mul3A_27 : i32
    "tpu.region"() ({
      %run_scoped3A = tpu.sem_alloc : memref<!tpu.dma_semaphore, #tpu.memory_space<semaphore_mem>>
      %dma_start3A_29 = tpu.memref_slice %arg4[%mul3A_28] : memref<1048576xf32, #tpu.memory_space<hbm>> -> memref<32768xf32, #tpu.memory_space<hbm>>
      %dma_start3A_30 = tpu.memref_slice %arg4[%mul3A_28] : memref<1048576xf32, #tpu.memory_space<hbm>> -> memref<32768xf32, #tpu.memory_space<hbm>>
      tpu.enqueue_dma source(%arg7 : memref<32768xf32, #tpu.memory_space<vmem>>) target(%dma_start3A_30 : memref<32768xf32, #tpu.memory_space<hbm>>) target_semaphore(%run_scoped3A : memref<!tpu.dma_semaphore, #tpu.memory_space<semaphore_mem>>)
      %dma_wait3A_31 = tpu.memref_slice %arg4[%mul3A_28] : memref<1048576xf32, #tpu.memory_space<hbm>> -> memref<32768xf32, #tpu.memory_space<hbm>>
      %dma_wait3A_32 = tpu.memref_slice %arg4[%mul3A_28] : memref<1048576xf32, #tpu.memory_space<hbm>> -> memref<32768xf32, #tpu.memory_space<hbm>>
      tpu.wait_dma2 semaphore(%run_scoped3A : memref<!tpu.dma_semaphore, #tpu.memory_space<semaphore_mem>>) src(%arg7 : memref<32768xf32, #tpu.memory_space<vmem>>) dst(%dma_wait3A_32 : memref<32768xf32, #tpu.memory_space<hbm>>)
      tpu.yield
    }) : () -> ()
    return
  }
}

module attributes {stable_mosaic.version = 14 : i64} {
  func.func @_logits_topk_block(%arg0: i32, %arg1: memref<512x4096xf32, #tpu.memory_space<vmem>>, %arg2: memref<64x4096xf32, #tpu.memory_space<vmem>>, %arg3: memref<1x64xf32, #tpu.memory_space<vmem>>, %arg4: memref<8x512xf32, #tpu.memory_space<vmem>>, %arg5: memref<8x512xi32, #tpu.memory_space<vmem>>, %arg6: memref<512x8xi32, #tpu.memory_space<vmem>>) attributes {dimension_semantics = [#tpu.dimension_semantics<arbitrary>], iteration_bounds = array<i64: 32>, scalar_prefetch = 0 : i64, scratch_operands = 0 : i64, tpu.core_type = #tpu.core_type<tc>, window_params = [{transform_indices = @transform_0, window_bounds = array<i64: 512, 4096>}, {pipeline_mode = #tpu.pipeline_mode<synchronous>, transform_indices = @transform_1, window_bounds = array<i64: 64, 4096>}, {pipeline_mode = #tpu.pipeline_mode<synchronous>, transform_indices = @transform_2, window_bounds = array<i64: 1, 64>}, {transform_indices = @transform_3, window_bounds = array<i64: 8, 512>}, {transform_indices = @transform_4, window_bounds = array<i64: 8, 512>}, {transform_indices = @transform_5, window_bounds = array<i64: 512, 8>}]} {
    %get3A = arith.constant 0 : index
    %get3A_0 = arith.constant 0 : index
    %get3A_1 = vector.load %arg1[%get3A, %get3A_0] : memref<512x4096xf32, #tpu.memory_space<vmem>>, vector<512x4096xf32>
    %get3A_2 = arith.constant 0 : index
    %get3A_3 = arith.constant 0 : index
    %get3A_4 = vector.load %arg2[%get3A_2, %get3A_3] : memref<64x4096xf32, #tpu.memory_space<vmem>>, vector<64x4096xf32>
    %dot_general3A = arith.constant dense<0.000000e+00> : vector<512x64xf32>
    %dot_general3A_5 = tpu.matmul %get3A_1, %get3A_4, %dot_general3A {dimension_numbers = #tpu.dot_dimension_numbers<[1], [1], [0], [0], [0, 0, 1, 0], [], []>, transpose_lhs_hint = false} : vector<512x4096xf32>, vector<64x4096xf32>, vector<512x64xf32> -> vector<512x64xf32>
    %get3A_6 = arith.constant 0 : index
    %get3A_7 = arith.constant 0 : index
    %get3A_8 = vector.load %arg3[%get3A_6, %get3A_7] : memref<1x64xf32, #tpu.memory_space<vmem>>, vector<1x64xf32>
    %add3A = vector.broadcast %get3A_8 : vector<1x64xf32> to vector<512x64xf32>
    %add3A_9 = arith.addf %dot_general3A_5, %add3A : vector<512x64xf32>
    %transpose3A = tpu.transpose %add3A_9, [1, 0] : vector<512x64xf32> -> vector<64x512xf32>
    %iota3A = tpu.iota {dimensions = array<i32: 0>} : vector<64x512xi32>
    %reduce_max3A = arith.constant dense<0xFF800000> : vector<512xf32>
    %reduce_max3A_10 = vector.multi_reduction <maximumf>, %transpose3A, %reduce_max3A [0] : vector<64x512xf32> to vector<512xf32>
    %broadcast_in_dim3A = vector.shape_cast %reduce_max3A_10 : vector<512xf32> to vector<1x512xf32>
    %eq3A = vector.broadcast %broadcast_in_dim3A : vector<1x512xf32> to vector<64x512xf32>
    %eq3A_11 = arith.cmpf oeq, %transpose3A, %eq3A : vector<64x512xf32>
    %jit3A = arith.constant 64 : i32
    %broadcast_in_dim3A_12 = vector.broadcast %jit3A : i32 to vector<64x512xi32>
    %select_n3A = arith.select %eq3A_11, %iota3A, %broadcast_in_dim3A_12 : vector<64x512xi1>, vector<64x512xi32>
    %reduce_min3A = arith.constant dense<2147483647> : vector<512xi32>
    %reduce_min3A_13 = vector.multi_reduction <minsi>, %select_n3A, %reduce_min3A [0] : vector<64x512xi32> to vector<512xi32>
    %broadcast_in_dim3A_14 = vector.shape_cast %reduce_min3A_13 : vector<512xi32> to vector<1x512xi32>
    %eq3A_15 = vector.broadcast %broadcast_in_dim3A_14 : vector<1x512xi32> to vector<64x512xi32>
    %eq3A_16 = arith.cmpi eq, %iota3A, %eq3A_15 : vector<64x512xi32>
    %jit3A_17 = arith.constant 0xFF800000 : f32
    %broadcast_in_dim3A_18 = vector.broadcast %jit3A_17 : f32 to vector<64x512xf32>
    %select_n3A_19 = arith.select %eq3A_16, %broadcast_in_dim3A_18, %transpose3A : vector<64x512xi1>, vector<64x512xf32>
    %reduce_max3A_20 = arith.constant dense<0xFF800000> : vector<512xf32>
    %reduce_max3A_21 = vector.multi_reduction <maximumf>, %select_n3A_19, %reduce_max3A_20 [0] : vector<64x512xf32> to vector<512xf32>
    %broadcast_in_dim3A_22 = vector.shape_cast %reduce_max3A_21 : vector<512xf32> to vector<1x512xf32>
    %eq3A_23 = vector.broadcast %broadcast_in_dim3A_22 : vector<1x512xf32> to vector<64x512xf32>
    %eq3A_24 = arith.cmpf oeq, %select_n3A_19, %eq3A_23 : vector<64x512xf32>
    %jit3A_25 = arith.constant 64 : i32
    %broadcast_in_dim3A_26 = vector.broadcast %jit3A_25 : i32 to vector<64x512xi32>
    %select_n3A_27 = arith.select %eq3A_24, %iota3A, %broadcast_in_dim3A_26 : vector<64x512xi1>, vector<64x512xi32>
    %reduce_min3A_28 = arith.constant dense<2147483647> : vector<512xi32>
    %reduce_min3A_29 = vector.multi_reduction <minsi>, %select_n3A_27, %reduce_min3A_28 [0] : vector<64x512xi32> to vector<512xi32>
    %broadcast_in_dim3A_30 = vector.shape_cast %reduce_min3A_29 : vector<512xi32> to vector<1x512xi32>
    %eq3A_31 = vector.broadcast %broadcast_in_dim3A_30 : vector<1x512xi32> to vector<64x512xi32>
    %eq3A_32 = arith.cmpi eq, %iota3A, %eq3A_31 : vector<64x512xi32>
    %jit3A_33 = arith.constant 0xFF800000 : f32
    %broadcast_in_dim3A_34 = vector.broadcast %jit3A_33 : f32 to vector<64x512xf32>
    %select_n3A_35 = arith.select %eq3A_32, %broadcast_in_dim3A_34, %select_n3A_19 : vector<64x512xi1>, vector<64x512xf32>
    %reduce_max3A_36 = arith.constant dense<0xFF800000> : vector<512xf32>
    %reduce_max3A_37 = vector.multi_reduction <maximumf>, %select_n3A_35, %reduce_max3A_36 [0] : vector<64x512xf32> to vector<512xf32>
    %broadcast_in_dim3A_38 = vector.shape_cast %reduce_max3A_37 : vector<512xf32> to vector<1x512xf32>
    %eq3A_39 = vector.broadcast %broadcast_in_dim3A_38 : vector<1x512xf32> to vector<64x512xf32>
    %eq3A_40 = arith.cmpf oeq, %select_n3A_35, %eq3A_39 : vector<64x512xf32>
    %jit3A_41 = arith.constant 64 : i32
    %broadcast_in_dim3A_42 = vector.broadcast %jit3A_41 : i32 to vector<64x512xi32>
    %select_n3A_43 = arith.select %eq3A_40, %iota3A, %broadcast_in_dim3A_42 : vector<64x512xi1>, vector<64x512xi32>
    %reduce_min3A_44 = arith.constant dense<2147483647> : vector<512xi32>
    %reduce_min3A_45 = vector.multi_reduction <minsi>, %select_n3A_43, %reduce_min3A_44 [0] : vector<64x512xi32> to vector<512xi32>
    %broadcast_in_dim3A_46 = vector.shape_cast %reduce_min3A_45 : vector<512xi32> to vector<1x512xi32>
    %eq3A_47 = vector.broadcast %broadcast_in_dim3A_46 : vector<1x512xi32> to vector<64x512xi32>
    %eq3A_48 = arith.cmpi eq, %iota3A, %eq3A_47 : vector<64x512xi32>
    %jit3A_49 = arith.constant 0xFF800000 : f32
    %broadcast_in_dim3A_50 = vector.broadcast %jit3A_49 : f32 to vector<64x512xf32>
    %select_n3A_51 = arith.select %eq3A_48, %broadcast_in_dim3A_50, %select_n3A_35 : vector<64x512xi1>, vector<64x512xf32>
    %reduce_max3A_52 = arith.constant dense<0xFF800000> : vector<512xf32>
    %reduce_max3A_53 = vector.multi_reduction <maximumf>, %select_n3A_51, %reduce_max3A_52 [0] : vector<64x512xf32> to vector<512xf32>
    %broadcast_in_dim3A_54 = vector.shape_cast %reduce_max3A_53 : vector<512xf32> to vector<1x512xf32>
    %eq3A_55 = vector.broadcast %broadcast_in_dim3A_54 : vector<1x512xf32> to vector<64x512xf32>
    %eq3A_56 = arith.cmpf oeq, %select_n3A_51, %eq3A_55 : vector<64x512xf32>
    %jit3A_57 = arith.constant 64 : i32
    %broadcast_in_dim3A_58 = vector.broadcast %jit3A_57 : i32 to vector<64x512xi32>
    %select_n3A_59 = arith.select %eq3A_56, %iota3A, %broadcast_in_dim3A_58 : vector<64x512xi1>, vector<64x512xi32>
    %reduce_min3A_60 = arith.constant dense<2147483647> : vector<512xi32>
    %reduce_min3A_61 = vector.multi_reduction <minsi>, %select_n3A_59, %reduce_min3A_60 [0] : vector<64x512xi32> to vector<512xi32>
    %broadcast_in_dim3A_62 = vector.shape_cast %reduce_min3A_61 : vector<512xi32> to vector<1x512xi32>
    %eq3A_63 = vector.broadcast %broadcast_in_dim3A_62 : vector<1x512xi32> to vector<64x512xi32>
    %eq3A_64 = arith.cmpi eq, %iota3A, %eq3A_63 : vector<64x512xi32>
    %jit3A_65 = arith.constant 0xFF800000 : f32
    %broadcast_in_dim3A_66 = vector.broadcast %jit3A_65 : f32 to vector<64x512xf32>
    %select_n3A_67 = arith.select %eq3A_64, %broadcast_in_dim3A_66, %select_n3A_51 : vector<64x512xi1>, vector<64x512xf32>
    %reduce_max3A_68 = arith.constant dense<0xFF800000> : vector<512xf32>
    %reduce_max3A_69 = vector.multi_reduction <maximumf>, %select_n3A_67, %reduce_max3A_68 [0] : vector<64x512xf32> to vector<512xf32>
    %broadcast_in_dim3A_70 = vector.shape_cast %reduce_max3A_69 : vector<512xf32> to vector<1x512xf32>
    %eq3A_71 = vector.broadcast %broadcast_in_dim3A_70 : vector<1x512xf32> to vector<64x512xf32>
    %eq3A_72 = arith.cmpf oeq, %select_n3A_67, %eq3A_71 : vector<64x512xf32>
    %jit3A_73 = arith.constant 64 : i32
    %broadcast_in_dim3A_74 = vector.broadcast %jit3A_73 : i32 to vector<64x512xi32>
    %select_n3A_75 = arith.select %eq3A_72, %iota3A, %broadcast_in_dim3A_74 : vector<64x512xi1>, vector<64x512xi32>
    %reduce_min3A_76 = arith.constant dense<2147483647> : vector<512xi32>
    %reduce_min3A_77 = vector.multi_reduction <minsi>, %select_n3A_75, %reduce_min3A_76 [0] : vector<64x512xi32> to vector<512xi32>
    %broadcast_in_dim3A_78 = vector.shape_cast %reduce_min3A_77 : vector<512xi32> to vector<1x512xi32>
    %eq3A_79 = vector.broadcast %broadcast_in_dim3A_78 : vector<1x512xi32> to vector<64x512xi32>
    %eq3A_80 = arith.cmpi eq, %iota3A, %eq3A_79 : vector<64x512xi32>
    %jit3A_81 = arith.constant 0xFF800000 : f32
    %broadcast_in_dim3A_82 = vector.broadcast %jit3A_81 : f32 to vector<64x512xf32>
    %select_n3A_83 = arith.select %eq3A_80, %broadcast_in_dim3A_82, %select_n3A_67 : vector<64x512xi1>, vector<64x512xf32>
    %reduce_max3A_84 = arith.constant dense<0xFF800000> : vector<512xf32>
    %reduce_max3A_85 = vector.multi_reduction <maximumf>, %select_n3A_83, %reduce_max3A_84 [0] : vector<64x512xf32> to vector<512xf32>
    %broadcast_in_dim3A_86 = vector.shape_cast %reduce_max3A_85 : vector<512xf32> to vector<1x512xf32>
    %eq3A_87 = vector.broadcast %broadcast_in_dim3A_86 : vector<1x512xf32> to vector<64x512xf32>
    %eq3A_88 = arith.cmpf oeq, %select_n3A_83, %eq3A_87 : vector<64x512xf32>
    %jit3A_89 = arith.constant 64 : i32
    %broadcast_in_dim3A_90 = vector.broadcast %jit3A_89 : i32 to vector<64x512xi32>
    %select_n3A_91 = arith.select %eq3A_88, %iota3A, %broadcast_in_dim3A_90 : vector<64x512xi1>, vector<64x512xi32>
    %reduce_min3A_92 = arith.constant dense<2147483647> : vector<512xi32>
    %reduce_min3A_93 = vector.multi_reduction <minsi>, %select_n3A_91, %reduce_min3A_92 [0] : vector<64x512xi32> to vector<512xi32>
    %broadcast_in_dim3A_94 = vector.shape_cast %reduce_min3A_93 : vector<512xi32> to vector<1x512xi32>
    %eq3A_95 = vector.broadcast %broadcast_in_dim3A_94 : vector<1x512xi32> to vector<64x512xi32>
    %eq3A_96 = arith.cmpi eq, %iota3A, %eq3A_95 : vector<64x512xi32>
    %jit3A_97 = arith.constant 0xFF800000 : f32
    %broadcast_in_dim3A_98 = vector.broadcast %jit3A_97 : f32 to vector<64x512xf32>
    %select_n3A_99 = arith.select %eq3A_96, %broadcast_in_dim3A_98, %select_n3A_83 : vector<64x512xi1>, vector<64x512xf32>
    %reduce_max3A_100 = arith.constant dense<0xFF800000> : vector<512xf32>
    %reduce_max3A_101 = vector.multi_reduction <maximumf>, %select_n3A_99, %reduce_max3A_100 [0] : vector<64x512xf32> to vector<512xf32>
    %broadcast_in_dim3A_102 = vector.shape_cast %reduce_max3A_101 : vector<512xf32> to vector<1x512xf32>
    %eq3A_103 = vector.broadcast %broadcast_in_dim3A_102 : vector<1x512xf32> to vector<64x512xf32>
    %eq3A_104 = arith.cmpf oeq, %select_n3A_99, %eq3A_103 : vector<64x512xf32>
    %jit3A_105 = arith.constant 64 : i32
    %broadcast_in_dim3A_106 = vector.broadcast %jit3A_105 : i32 to vector<64x512xi32>
    %select_n3A_107 = arith.select %eq3A_104, %iota3A, %broadcast_in_dim3A_106 : vector<64x512xi1>, vector<64x512xi32>
    %reduce_min3A_108 = arith.constant dense<2147483647> : vector<512xi32>
    %reduce_min3A_109 = vector.multi_reduction <minsi>, %select_n3A_107, %reduce_min3A_108 [0] : vector<64x512xi32> to vector<512xi32>
    %broadcast_in_dim3A_110 = vector.shape_cast %reduce_min3A_109 : vector<512xi32> to vector<1x512xi32>
    %eq3A_111 = vector.broadcast %broadcast_in_dim3A_110 : vector<1x512xi32> to vector<64x512xi32>
    %eq3A_112 = arith.cmpi eq, %iota3A, %eq3A_111 : vector<64x512xi32>
    %jit3A_113 = arith.constant 0xFF800000 : f32
    %broadcast_in_dim3A_114 = vector.broadcast %jit3A_113 : f32 to vector<64x512xf32>
    %select_n3A_115 = arith.select %eq3A_112, %broadcast_in_dim3A_114, %select_n3A_99 : vector<64x512xi1>, vector<64x512xf32>
    %reduce_max3A_116 = arith.constant dense<0xFF800000> : vector<512xf32>
    %reduce_max3A_117 = vector.multi_reduction <maximumf>, %select_n3A_115, %reduce_max3A_116 [0] : vector<64x512xf32> to vector<512xf32>
    %broadcast_in_dim3A_118 = vector.shape_cast %reduce_max3A_117 : vector<512xf32> to vector<1x512xf32>
    %eq3A_119 = vector.broadcast %broadcast_in_dim3A_118 : vector<1x512xf32> to vector<64x512xf32>
    %eq3A_120 = arith.cmpf oeq, %select_n3A_115, %eq3A_119 : vector<64x512xf32>
    %jit3A_121 = arith.constant 64 : i32
    %broadcast_in_dim3A_122 = vector.broadcast %jit3A_121 : i32 to vector<64x512xi32>
    %select_n3A_123 = arith.select %eq3A_120, %iota3A, %broadcast_in_dim3A_122 : vector<64x512xi1>, vector<64x512xi32>
    %reduce_min3A_124 = arith.constant dense<2147483647> : vector<512xi32>
    %reduce_min3A_125 = vector.multi_reduction <minsi>, %select_n3A_123, %reduce_min3A_124 [0] : vector<64x512xi32> to vector<512xi32>
    %broadcast_in_dim3A_126 = vector.shape_cast %reduce_min3A_125 : vector<512xi32> to vector<1x512xi32>
    %broadcast_in_dim3A_127 = arith.constant 1.000000e+00 : f32
    %broadcast_in_dim3A_128 = vector.broadcast %broadcast_in_dim3A_127 : f32 to vector<1x512xf32>
    %sub3A = arith.subf %broadcast_in_dim3A_22, %broadcast_in_dim3A : vector<1x512xf32>
    %exp3A = math.exp %sub3A : vector<1x512xf32>
    %sub3A_129 = arith.subf %broadcast_in_dim3A_38, %broadcast_in_dim3A : vector<1x512xf32>
    %exp3A_130 = math.exp %sub3A_129 : vector<1x512xf32>
    %sub3A_131 = arith.subf %broadcast_in_dim3A_54, %broadcast_in_dim3A : vector<1x512xf32>
    %exp3A_132 = math.exp %sub3A_131 : vector<1x512xf32>
    %sub3A_133 = arith.subf %broadcast_in_dim3A_70, %broadcast_in_dim3A : vector<1x512xf32>
    %exp3A_134 = math.exp %sub3A_133 : vector<1x512xf32>
    %sub3A_135 = arith.subf %broadcast_in_dim3A_86, %broadcast_in_dim3A : vector<1x512xf32>
    %exp3A_136 = math.exp %sub3A_135 : vector<1x512xf32>
    %sub3A_137 = arith.subf %broadcast_in_dim3A_102, %broadcast_in_dim3A : vector<1x512xf32>
    %exp3A_138 = math.exp %sub3A_137 : vector<1x512xf32>
    %sub3A_139 = arith.subf %broadcast_in_dim3A_118, %broadcast_in_dim3A : vector<1x512xf32>
    %exp3A_140 = math.exp %sub3A_139 : vector<1x512xf32>
    %add3A_141 = arith.addf %broadcast_in_dim3A_128, %exp3A : vector<1x512xf32>
    %add3A_142 = arith.addf %add3A_141, %exp3A_130 : vector<1x512xf32>
    %add3A_143 = arith.addf %add3A_142, %exp3A_132 : vector<1x512xf32>
    %add3A_144 = arith.addf %add3A_143, %exp3A_134 : vector<1x512xf32>
    %add3A_145 = arith.addf %add3A_144, %exp3A_136 : vector<1x512xf32>
    %add3A_146 = arith.addf %add3A_145, %exp3A_138 : vector<1x512xf32>
    %add3A_147 = arith.addf %add3A_146, %exp3A_140 : vector<1x512xf32>
    %concatenate3A = tpu.concatenate %broadcast_in_dim3A_14, %broadcast_in_dim3A_30, %broadcast_in_dim3A_46, %broadcast_in_dim3A_62, %broadcast_in_dim3A_78, %broadcast_in_dim3A_94, %broadcast_in_dim3A_110, %broadcast_in_dim3A_126 in 0 : vector<1x512xi32>, vector<1x512xi32>, vector<1x512xi32>, vector<1x512xi32>, vector<1x512xi32>, vector<1x512xi32>, vector<1x512xi32>, vector<1x512xi32> -> vector<8x512xi32>
    %concatenate3A_148 = tpu.concatenate %broadcast_in_dim3A_128, %exp3A, %exp3A_130, %exp3A_132, %exp3A_134, %exp3A_136, %exp3A_138, %exp3A_140 in 0 : vector<1x512xf32>, vector<1x512xf32>, vector<1x512xf32>, vector<1x512xf32>, vector<1x512xf32>, vector<1x512xf32>, vector<1x512xf32>, vector<1x512xf32> -> vector<8x512xf32>
    %div3A = vector.broadcast %add3A_147 : vector<1x512xf32> to vector<8x512xf32>
    %div3A_149 = arith.divf %concatenate3A_148, %div3A : vector<8x512xf32>
    %swap3A = arith.constant 0 : index
    %swap3A_150 = arith.constant 0 : index
    %swap3A_151 = vector.load %arg4[%swap3A, %swap3A_150] : memref<8x512xf32, #tpu.memory_space<vmem>>, vector<8x512xf32>
    tpu.vector_store %arg4[%swap3A, %swap3A_150], %div3A_149 {strides = array<i32>} : memref<8x512xf32, #tpu.memory_space<vmem>>, vector<8x512xf32>,
    %swap3A_152 = arith.constant 0 : index
    %swap3A_153 = arith.constant 0 : index
    %swap3A_154 = vector.load %arg5[%swap3A_152, %swap3A_153] : memref<8x512xi32, #tpu.memory_space<vmem>>, vector<8x512xi32>
    tpu.vector_store %arg5[%swap3A_152, %swap3A_153], %concatenate3A {strides = array<i32>} : memref<8x512xi32, #tpu.memory_space<vmem>>, vector<8x512xi32>,
    %transpose3A_155 = tpu.transpose %concatenate3A, [1, 0] : vector<8x512xi32> -> vector<512x8xi32>
    %swap3A_156 = arith.constant 0 : index
    %swap3A_157 = arith.constant 0 : index
    %swap3A_158 = vector.load %arg6[%swap3A_156, %swap3A_157] : memref<512x8xi32, #tpu.memory_space<vmem>>, vector<512x8xi32>
    tpu.vector_store %arg6[%swap3A_156, %swap3A_157], %transpose3A_155 {strides = array<i32>} : memref<512x8xi32, #tpu.memory_space<vmem>>, vector<512x8xi32>,
    return
  }
  func.func @transform_0(%arg0: i32) -> (i32, i32) {
    %add3A = arith.constant 0 : i32
    %add3A_0 = arith.addi %add3A, %arg0 : i32
    %c0_i32 = arith.constant 0 : i32
    %c0_i32_1 = arith.constant 0 : i32
    return %add3A_0, %c0_i32 : i32, i32
  }
  func.func @transform_1(%arg0: i32) -> (i32, i32) {
    %c0_i32 = arith.constant 0 : i32
    %c0_i32_0 = arith.constant 0 : i32
    %c0_i32_1 = arith.constant 0 : i32
    return %c0_i32, %c0_i32_0 : i32, i32
  }
  func.func @transform_2(%arg0: i32) -> (i32, i32) {
    %c0_i32 = arith.constant 0 : i32
    %c0_i32_0 = arith.constant 0 : i32
    %c0_i32_1 = arith.constant 0 : i32
    return %c0_i32, %c0_i32_0 : i32, i32
  }
  func.func @transform_3(%arg0: i32) -> (i32, i32) {
    %c0_i32 = arith.constant 0 : i32
    %c0_i32_0 = arith.constant 0 : i32
    return %c0_i32, %arg0 : i32, i32
  }
  func.func @transform_4(%arg0: i32) -> (i32, i32) {
    %c0_i32 = arith.constant 0 : i32
    %c0_i32_0 = arith.constant 0 : i32
    return %c0_i32, %arg0 : i32, i32
  }
  func.func @transform_5(%arg0: i32) -> (i32, i32) {
    %c0_i32 = arith.constant 0 : i32
    %c0_i32_0 = arith.constant 0 : i32
    return %arg0, %c0_i32 : i32, i32
  }
}

</mosaic_0001>

<sc_bundles>
// kernel: kernel.4.cloned.1.call-start
scs
__scs_entry_jumppad:
0x0: {  	(pc) =	sbr.rel $0x88, $3  }
0x1: {  	(tag) =	ssettag $0x0;
	lr =	simm.s32 $0x1  }
0x2: {  	[smem:$0x3F9E] =	sst lr;
	_ =	strace $0xD0000000  }
0x3: {  	_ = 	snop  }
0x4: {  	_ = 	snop  }
0x5: {  	_ = 	snop  }
0x6: {  	_ = 	snop  }
0x7: {  	_ = 	snop  }
__scs_overlays_trampoline_lowered:
0x8: {  	[smem:$0x3FAD] =	sst s0  }
0x9: {  	[smem:$0x3FAE] =	sst s1  }
0xa: {  	[smem:$0x3FAF] =	sst s2  }
0xb: {  	[smem:$0x3FB0] =	sst s3  }
0xc: {  	[smem:$0x3FB1] =	sst s4  }
0xd: {  	[smem:$0x3FB2] =	sst s5  }
0xe: {  	[smem:$0x3FB3] =	sst s6  }
0xf: {  	[smem:$0x3FB4] =	sst s7  }
0x10: {  	[smem:$0x3FB5] =	sst s8  }
0x11: {  	[smem:$0x3FB6] =	sst s9;
	s0 =	simm.s32 @!p0 $0x0  }
0x12: {  	s1 =	sld [smem:$0x3F9C];
	s0 =	simm.s32 @p0 $0x1  }
0x13: {  	[smem:$0x3FB7] =	sst s0;
	s0 =	simm.s32 @!p1 $0x0  }
0x14: {  	s2 =	sld [smem:$0x3F9B];
	s0 =	simm.s32 @p1 $0x1  }
0x15: {  	[smem:$0x3FB8] =	sst s0;
	s0 =	simm.s32 @!p2 $0x0  }
0x16: {  	s3 =	sld [smem:$0x3FDB];
	s0 =	simm.s32 @p2 $0x1  }
0x17: {  	s4 =	simm.s32 $0x1BF5;
	[smem:$0x3FBA] =	sst s0  }
0x18: {  	s0 =	sld [smem:$0x3F9D];
	_ =	swait.ge [sflag:s4], $0x0  }
0x19: {  	s7 =	sld [smem:$0x3F9E]  }
0x1a: {  	s8 =	sadd.s32 $0xFFFFE003, lr  }
0x1b: {  	s9 =	sadd.s32 $0xFFFFFEF7, lr;
	s5 =	simm.s32 $0xFFFFFFFF;
	p2 =	slt.u32 s8, $0xFFFFF086  }
0x1c: {  	p1 =	slt.u32 s9, $0xF7A;
	s5 =	simm.s32 @!p2 $0x0  }
0x1d: {  	s5 =	simm.s32 @p1 $0x1;
	p0 =	seq.s32 s7, s2  }
0x1e: {  	s7 =	smul.u32 @!p0 $0xF7A, s2;
	p2 =	seq.s32 @!p0 s5, $0x0  }
0x1f: {  	s9 =	smul.u32 $0xF7A, s1;
	s8 =	simm.s32 @!p0 $0x1BF5;
	p2 =	por !p2, p0  }
0x20: {  	[sflag:s8] =	ssyncset.s32 @!p0 $0xFFFFF086;
	s6 =	sadd.s32 @!p0 s3, s7;
	s7 =	simm.s32 @!p0 $0x108  }
0x21: {  	s3 =	sadd.s32 s3, s9;
	s6 =	sadd.s32 @!p0 $0x88, s6;
	s7 =	simm.s32 @p2 $0x1082  }
0x22: {  	[simem:s7], [sflag:s8] =	dma.local @!p0 [hbm:s6], $0xF7A  }
0x23: {  	s9 =	sor.u32 $0xD0000000, s2;
	s6 =	simm.s32 $0x108;
	_ =	swait.ge @!p0 [sflag:s8], $0x0  }
0x24: {  	s3 =	sadd.s32 $0x88, s3;
	s6 =	simm.s32 @!p1 $0x1082;
	[sflag:s4] =	ssyncset.s32 $0xFFFFF086  }
0x25: {  	[simem:s6], [sflag:s4] =	dma.local [hbm:s3], $0xF7A  }
0x26: {  	[smem:$0x3F9E] =	sst s1;
	(tag) =	ssettag s2;
	_ =	strace s9  }
0x27: {  	s1 =	sld [smem:$0x3FAE]  }
0x28: {  	s2 =	sld [smem:$0x3FAF]  }
0x29: {  	s4 =	sld [smem:$0x3FB1]  }
0x2a: {  	p0 =	seq.s32 s5, $0x0;
	s5 =	sld [smem:$0x3FB2]  }
0x2b: {  	s6 =	sld [smem:$0x3FB3]  }
0x2c: {  	s7 =	sld [smem:$0x3FB4]  }
0x2d: {  	s3 =	simm.s32 $0x108;
	s8 =	sld [smem:$0x3FB5]  }
0x2e: {  	s3 =	simm.s32 @!p0 $0x1082;
	s9 =	sld [smem:$0x3FB6]  }
0x2f: {  	lr =	sadd.s32 s0, s3;
	s0 =	sld [smem:$0x3FAD]  }
0x30: {  	s3 =	sld [smem:$0x3FB0]  }
0x31: {  	[smem:$0x3FB9] =	sst s10  }
0x32: {  	s10 =	sld [smem:$0x3FB7];
	_ =	sdelay $0x3  }
0x33: {  	p0 =	seq.s32 s10, $0x1;
	s10 =	sld [smem:$0x3FB9];
	_ =	sdelay $0x3  }
0x34: {  	[smem:$0x3FB9] =	sst s10  }
0x35: {  	s10 =	sld [smem:$0x3FB8];
	_ =	sdelay $0x3  }
0x36: {  	p1 =	seq.s32 s10, $0x1;
	s10 =	sld [smem:$0x3FB9];
	_ =	sdelay $0x3  }
0x37: {  	[smem:$0x3FB9] =	sst s10  }
0x38: {  	s10 =	sld [smem:$0x3FBA]  }
0x39: {  	_ = 	snop;
	(pc) =	sbr.ind lr, $3  }
0x3a: {  	_ = 	snop  }
0x3b: {  	_ = 	snop  }
0x3c: {  	p2 =	seq.s32 s10, $0x1;
	s10 =	sld [smem:$0x3FB9]  }
0x3d: {  	_ =	shalt  }
0x3e: {  	_ =	shalt  }
0x3f: {  	_ =	shalt  }
0x40: {  	_ =	shalt  }
0x41: {  	_ =	shalt  }
0x42: {  	_ =	shalt  }
0x43: {  	_ =	shalt  }
0x44: {  	_ =	shalt  }
0x45: {  	_ =	shalt  }
0x46: {  	_ =	shalt  }
0x47: {  	_ =	shalt  }
0x48: {  	_ =	shalt  }
0x49: {  	_ =	shalt  }
0x4a: {  	_ =	shalt  }
0x4b: {  	_ =	shalt  }
0x4c: {  	_ =	shalt  }
0x4d: {  	_ =	shalt  }
0x4e: {  	_ =	shalt  }
0x4f: {  	_ =	shalt  }
0x50: {  	_ =	shalt  }
0x51: {  	_ =	shalt  }
0x52: {  	_ =	shalt  }
0x53: {  	_ =	shalt  }
0x54: {  	_ =	shalt  }
0x55: {  	_ =	shalt  }
0x56: {  	_ =	shalt  }
0x57: {  	_ =	shalt  }
0x58: {  	_ =	shalt  }
0x59: {  	_ =	shalt  }
0x5a: {  	_ =	shalt  }
0x5b: {  	_ =	shalt  }
0x5c: {  	_ =	shalt  }
0x5d: {  	_ =	shalt  }
0x5e: {  	_ =	shalt  }
0x5f: {  	_ =	shalt  }
0x60: {  	_ =	shalt  }
0x61: {  	_ =	shalt  }
0x62: {  	_ =	shalt  }
0x63: {  	_ =	shalt  }
0x64: {  	_ =	shalt  }
0x65: {  	_ =	shalt  }
0x66: {  	_ =	shalt  }
0x67: {  	_ =	shalt  }
0x68: {  	_ =	shalt  }
0x69: {  	_ =	shalt  }
0x6a: {  	_ =	shalt  }
0x6b: {  	_ =	shalt  }
0x6c: {  	_ =	shalt  }
0x6d: {  	_ =	shalt  }
0x6e: {  	_ =	shalt  }
0x6f: {  	_ =	shalt  }
0x70: {  	_ =	shalt  }
0x71: {  	_ =	shalt  }
0x72: {  	_ =	shalt  }
0x73: {  	_ =	shalt  }
0x74: {  	_ =	shalt  }
0x75: {  	_ =	shalt  }
0x76: {  	_ =	shalt  }
0x77: {  	_ =	shalt  }
0x78: {  	_ =	shalt  }
0x79: {  	_ =	shalt  }
0x7a: {  	_ =	shalt  }
0x7b: {  	_ =	shalt  }
0x7c: {  	_ =	shalt  }
0x7d: {  	_ =	shalt  }
0x7e: {  	_ =	shalt  }
0x7f: {  	_ =	shalt  }
0x80: {  	_ =	shalt  }
0x81: {  	_ =	shalt  }
0x82: {  	_ =	shalt  }
0x83: {  	_ =	shalt  }
0x84: {  	_ =	shalt  }
0x85: {  	_ =	shalt  }
0x86: {  	_ =	shalt  }
0x87: {  	_ =	shalt  }
.Lfunc_end0:
.L_simem_size_0:
called_computation_lowered:
.L_overlay_start_0:
0x88: {  	s2 =	sld [smem:$0x3FD9]  }
0x89: {  	s3 =	sld [smem:$0x3FFE];
	_ =	sdelay $0x1  }
0x8a: {  	s1 =	srdreg.scid  }
0x8b: {  	s0 =	sand.u32 $0x1, s1  }
0x8c: {  	s14 =	sshll.u32 s0, $0xA;
	s2 =	sadd.s32 s3, s2  }
0x8d: {  	s2 =	sadd.s32 s2, s14  }
0x8e: {  	[smem:$0x3FC5] =	sst s2  }
0x8f: {  	_ = 	snop  }
0x90: {  	s2 =	sld [smem:$0x3FD0];
	_ =	sdelay $0x2  }
0x91: {  	s15 =	simm.s32 $0xA;
	s4 =	simm.s32 $0x10  }
0x92: {  	[smem:s4], [sflag:s15] =	dma.local [hbm:s2], $0x1  }
0x93: {  	_ =	swait.eq [sflag:s15], $0x1  }
0x94: {  	[sflag:s15] =	ssyncset.done $0x0  }
0x95: {  	[sflag:s15] =	ssyncadd.s32 $0xFFFFFFFF  }
0x96: {  	s16 =	sld [smem:$0x10];
	(tm) =	ssettm $0x1  }
0x97: {  	s17 =	sld [smem:$0x3FFB];
	_ =	sdelay $0x3  }
0x98: {  	_ =	strace s17  }
0x99: {  	s3 =	sld [smem:$0x3FFC];
	_ =	sdelay $0x3  }
0x9a: {  	_ =	strace s3  }
0x9b: {  	s3 =	sld [smem:$0x3FFD];
	_ =	sdelay $0x3  }
0x9c: {  	_ =	strace s3  }
0x9d: {  	_ =	strace $0x8FFFFFFF  }
0x9e: {  	s18 =	sld [smem:$0x3FDB];
	_ =	sdelay $0x1  }
0x9f: {  	s19 =	simm.s32 $_scs_section_size  }
0xa0: {  	s5 =	simm.s32 $_size__tile_overlayer_lowered;
	s6 =	simm.s32 $_tile_overlayer_lowered  }
0xa1: {  	s22 =	simm.s32 $0x1BFF;
	s21 =	sshll.u32 s6, $0x1;
	s3 =	sadd.s32 s19, s18  }
0xa2: {  	s7 =	simm.s32 $0x0;
	s20 =	sshll.u32 s5, $0x1;
	s5 =	sadd.s32 s21, s3  }
0xa3: {  	[timem:s7], [sflag:s22] =	dma.local [hbm:s5], s20  }
0xa4: {  	_ =	swait.ge [sflag:s22], s20  }
0xa5: {  	s4 =	ssub.s32 $0x0, s20;
	[sflag:s22] =	ssyncset.done $0x0  }
0xa6: {  	[sflag:s22] =	ssyncadd.s32 s4;
	_ =	sdelay $0x1  }
0xa7: {  	s23 =	simm.s32 $0x1B8B  }
0xa8: {  	_ =	swait.ge [sflag:s23], $0x1  }
0xa9: {  	[sflag:s23] =	ssyncset.done $0x0  }
0xaa: {  	s25 =	simm.s32 $0x1B8E;
	s24 =	sld [smem:$0x3FFE];
	[sflag:s23] =	ssyncadd.s32 $0xFFFFFFFF  }
0xab: {  	s26 =	simm.s32 $execute0_lowered;
	[smem:$0x3FD2] =	sst s25  }
0xac: {  	s5 =	sshll.u32 s26, $0x1;
	_ =	strace $0x80000046;
	[dreg:$0x1] =	wrdreg $0xFFFFFFFF  }
0xad: {  	s28 =	simm.s32 $_size_execute0_lowered;
	s3 =	sadd.s32 s3, s5;
	[dreg:$0x0] =	wrdreg $0x0  }
0xae: {  	s5 =	sshll.u32 s28, $0x1;
	[dreg:$0x2] =	wrdreg s3  }
0xaf: {  	[dreg:$0x3] =	wrdreg s5  }
0xb0: {  	[dreg:$0x4] =	wrdreg $0xC0  }
0xb1: {  	_ =	task [dreg:s7], $0x5FFFF  }
0xb2: {  	[dreg:$0x1] =	wrdreg $0xFFFFFFFF  }
0xb3: {  	[dreg:$0x0] =	wrdreg $0x60  }
0xb4: {  	[dreg:$0x2] =	wrdreg s24  }
0xb5: {  	[dreg:$0x3] =	wrdreg s16  }
0xb6: {  	[dreg:$0x4] =	wrdreg $0x9  }
0xb7: {  	_ =	task.clear_ibuf [dreg:s7], $0x5FFFF;
	_ =	strace $0x90000046  }
0xb8: {  	s29 =	simm.s32 $0x9;
	_ =	strace $0x80000048  }
0xb9: {  	_ =	swait.ge [sflag:s29], $0x1  }
0xba: {  	[sflag:s29] =	ssyncadd.s32 $0xFFFFFFFF  }
0xbb: {  	_ =	strace $0x90000048  }
0xbc: {  	_ =	sfence  }
0xbd: {  	s30 =	sld [smem:$0x0];
	_ =	sdelay $0x2  }
0xbe: {  	s31 =	sshll.u32 s1, $0xD;
	s1 =	sshrl.u32 s1, $0x2  }
0xbf: {  	s3 =	sand.u32 $0x4000, s31;
	s1 =	sadd.s32 s1, s30  }
0xc0: {  	s0 =	sor.u32 s3, s0;
	s1 =	sshll.u32 s1, $0x11  }
0xc1: {  	s0 =	sor.u32 s1, s0  }
0xc2: {  	s0 =	sadd.s32 $0x8F2B, s0  }
0xc3: {  	[sflag:s0] =	ssyncadd.remote.s32 $0x1  }
0xc4: {  	_ =	sfence.sel $0xFFFF  }
0xc5: {  	[dreg:$0x0] =	wrdreg $0xFFFFFFFF;
	(pc) =	sbr.abs _section_cstart, $3  }
0xc6: {  	[dreg:$0x1] =	wrdreg $0xFFFFFFFF  }
0xc7: {  	_ =	task.clear_ibuf [dreg:s7], $0x2FFFF;
	_ =	strace $0x9FFFFFFF  }
0xc8: {  	(tm) =	ssettm $0x7FFFFFFF  }
0xc9: {  	_ =	shalt  }
tec
execute0_lowered:
.L_overlay_start_1:
0x0: {  	(tag) =	ssettag $0x1  }
0x1: {  	s3 =	rddreg [dreg:$0x0]  }
0x2: {  	s5 =	rddreg [dreg:$0x1]  }
0x3: {  	s0 =	rddreg [dreg:$0x2]  }
0x4: {  	s4 =	srdreg.scid;
	s1 =	stileid.u32  }
0x5: {  	s2 =	simm.s32 $0x0;
	s9 =	simm.s32 $0x2000;
	s10 =	simm.s32 $0x2  }
0x6: {  	s11 =	simm.s32 $0x0;
	s4 =	sand.u32 $0x1, s4;
	s6 =	sshll.u32 s1, $0x1  }
0x7: {  	[smem:$0x7FF] =	sst s2;
	s6 =	sor.u32 s4, s6;
	s4 =	ssub.s32 $0x2, s4  }
0x8: {  	_ =	strace $0x80000047;
	s7 =	sshll.u32 s6, $0x9;
	s8 =	sshrl.u32 s4, $0x1  }
0x9: {  	s6 =	sshll.u32 s6, $0xC;
	s7 =	sadd.s32 s7, s3;
	s8 =	ssub.s32 s4, s8  }
0xa: {  	v1 =	vlaneseq.u32;
	s5 =	sadd.s32 s5, s6;
	s3 =	sadd.s32 $0xE00, s7;
	s4 =	sadd.s32 $0x4E00, s7  }
0xb: {  	v0 =	vimm.f32 $0.0e+00;
	v1 =	vmul.u32 $0x40, v1;
	s6 =	smax.u32 s8, $0x1;
	s7 =	simm.s32 $0x1000;
	s8 =	simm.s32 $0x1  }
.LBB2_1:
0xc: {  	[tilespmem:s2], [sflag:$0x1] =	stream.linear.gather [hbm4b:s3+s2], $0x1000, $0x38;
	[tilespmem:$0xA000] =	vst v63  }
0xd: {  	s12 =	simm.s32 $0x2040  }
0xe: {  	[tilespmem:s7], [sflag:$0x1] =	stream.linear.gather [hbm4b:s4+s2], $0x1000, $0x38;
	[tilespmem:$0xA000] =	vst v63  }
0xf: {  	[tilespmem:s12+$0xFFFFFFC0] =	vst v0  }
0x10: {  	[tilespmem:s12+$0x30] =	vst v0  }
0x11: {  	[tilespmem:s12+$0x20] =	vst v0  }
0x12: {  	[tilespmem:s12+$0x10] =	vst v0  }
0x13: {  	[tilespmem:s12+$0x0] =	vst v0  }
0x14: {  	[tilespmem:s12+$0xFFFFFFF0] =	vst v0  }
0x15: {  	s13 =	simm.s32 $0x0;
	[tilespmem:s12+$0xFFFFFFE0] =	vst v0  }
.LBB2_2:
0x16: {  	s13 =	sadd.s32 $0x8, s13;
	[tilespmem:s12+$0xFFFFFFD0] =	vst v0;
	s12 =	sadd.s32 $0x80, s12  }
0x17: {  	[tilespmem:s12+$0xFFFFFFC0] =	vst v0;
	p0 =	slt.u32 s13, $0x7F8  }
0x18: {  	[tilespmem:s12+$0x30] =	vst v0  }
.Ltmp0:
0x19: {  	[tilespmem:s12+$0x20] =	vst v0;
	(pc) =	sbr.rel @p0 .LBB2_2-.Ltmp0, $4  }
0x1a: {  	[tilespmem:s12+$0x10] =	vst v0  }
0x1b: {  	[tilespmem:s12+$0x0] =	vst v0  }
0x1c: {  	[tilespmem:s12+$0xFFFFFFF0] =	vst v0  }
0x1d: {  	[tilespmem:s12+$0xFFFFFFE0] =	vst v0  }
0x1e: {  	[tilespmem:s12+$0xFFFFFFD0] =	vst v0  }
0x1f: {  	_ =	swait.ge [sflag:s8], $0x1000  }
0x20: {  	[sflag:s8] =	ssyncset.done $0x0  }
0x21: {  	[sflag:s8] =	ssyncadd.s32 $0xFFFFF000  }
0x22: {  	s12 =	simm.s32 $0xFFFFFFFE;
	_ =	swait.ge [sflag:s8], $0x1000  }
0x23: {  	s13 =	simm.s32 $0x0;
	s14 =	simm.s32 $0x0;
	[sflag:s8] =	ssyncset.done $0x0  }
0x24: {  	s15 =	simm.s32 $0x0;
	s16 =	simm.s32 $0x0;
	[sflag:s8] =	ssyncadd.s32 $0xFFFFF000  }
.LBB2_4:
0x25: {  	s17 =	sand.u32 $0x60, s13;
	s18 =	sand.u32 $0xC00, s16  }
0x26: {  	s17 =	sor.u32 s17, s18  }
0x27: {  	v2 =	vld [tilespmem:s17+$0x1000];
	_ =	sdelay $0x1  }
0x28: {  	v3 =	vmov s13  }
0x29: {  	v3 =	vshll.u32 v3, $0x6  }
0x2a: {  	v3 =	vor.u32 v1, v3  }
0x2b: {  	v4 =	vld [tilespmem:s17+$0x0];
	v2 =	vadd.s32 v3, v2;
	_ =	sdelay $0x4  }
0x2c: {  	[tilespmem:v2+s9+$0x0] =	vst.idx.msk $0xffff, v4  }
0x2d: {  	v2 =	vld [tilespmem:s17+$0x1080];
	_ =	sdelay $0x4  }
0x2e: {  	v4 =	vld [tilespmem:s17+$0x80];
	v2 =	vadd.s32 v3, v2;
	_ =	sdelay $0x4  }
0x2f: {  	[tilespmem:v2+s9+$0x0] =	vst.idx.msk $0xffff, v4  }
0x30: {  	v2 =	vld [tilespmem:s17+$0x1100];
	_ =	sdelay $0x4  }
0x31: {  	v4 =	vld [tilespmem:s17+$0x100];
	v2 =	vadd.s32 v3, v2;
	_ =	sdelay $0x3  }
0x32: {  	s19 =	sor.u32 s13, s18  }
0x33: {  	s19 =	sor.u32 $0x180, s19;
	[tilespmem:v2+s9+$0x0] =	vst.idx.msk $0xffff, v4  }
0x34: {  	v2 =	vld [tilespmem:s19+$0x1000];
	_ =	sdelay $0x4  }
0x35: {  	v4 =	vld [tilespmem:s19+$0x0];
	v2 =	vadd.s32 v3, v2;
	_ =	sdelay $0x4  }
0x36: {  	[tilespmem:v2+s9+$0x0] =	vst.idx.msk $0xffff, v4  }
0x37: {  	v2 =	vld [tilespmem:s17+$0x1200];
	_ =	sdelay $0x4  }
0x38: {  	v4 =	vld [tilespmem:s17+$0x200];
	v2 =	vadd.s32 v3, v2;
	_ =	sdelay $0x4  }
0x39: {  	[tilespmem:v2+s9+$0x0] =	vst.idx.msk $0xffff, v4  }
0x3a: {  	v2 =	vld [tilespmem:s17+$0x1280];
	_ =	sdelay $0x4  }
0x3b: {  	v4 =	vld [tilespmem:s17+$0x280];
	v2 =	vadd.s32 v3, v2;
	_ =	sdelay $0x1  }
0x3c: {  	s26 =	sand.u32 $0x3, s14  }
0x3d: {  	s17 =	sshll.u32 s26, $0x5  }
0x3e: {  	s17 =	sadd.s32 s17, s16  }
0x3f: {  	s17 =	sor.u32 $0x300, s17;
	[tilespmem:v2+s9+$0x0] =	vst.idx.msk $0xffff, v4  }
0x40: {  	v2 =	vld [tilespmem:s17+$0x1000];
	_ =	sdelay $0x4  }
0x41: {  	v4 =	vld [tilespmem:s17+$0x0];
	v2 =	vadd.s32 v3, v2;
	_ =	sdelay $0x3  }
0x42: {  	s28 =	sor.u32 s13, s16  }
0x43: {  	s17 =	sor.u32 $0x380, s28;
	[tilespmem:v2+s9+$0x0] =	vst.idx.msk $0xffff, v4  }
0x44: {  	v2 =	vld [tilespmem:s17+$0x1000];
	_ =	sdelay $0x4  }
0x45: {  	v4 =	vld [tilespmem:s17+$0x0];
	v2 =	vadd.s32 v3, v2;
	_ =	sdelay $0x2  }
0x46: {  	s29 =	sadd.s32 $0x10, s13  }
0x47: {  	s30 =	sand.u32 $0x70, s29  }
0x48: {  	s19 =	sor.u32 s18, s30;
	[tilespmem:v2+s9+$0x0] =	vst.idx.msk $0xffff, v4  }
0x49: {  	v2 =	vld [tilespmem:s19+$0x1000];
	_ =	sdelay $0x1  }
0x4a: {  	v3 =	vmov s29  }
0x4b: {  	v3 =	vshll.u32 v3, $0x6  }
0x4c: {  	v3 =	vor.u32 v1, v3  }
0x4d: {  	v4 =	vld [tilespmem:s19+$0x0];
	v2 =	vadd.s32 v3, v2;
	_ =	sdelay $0x4  }
0x4e: {  	[tilespmem:v2+s9+$0x0] =	vst.idx.msk $0xffff, v4  }
0x4f: {  	v2 =	vld [tilespmem:s19+$0x1080];
	_ =	sdelay $0x4  }
0x50: {  	v4 =	vld [tilespmem:s19+$0x80];
	v2 =	vadd.s32 v3, v2;
	_ =	sdelay $0x4  }
0x51: {  	[tilespmem:v2+s9+$0x0] =	vst.idx.msk $0xffff, v4  }
0x52: {  	v2 =	vld [tilespmem:s19+$0x1100];
	_ =	sdelay $0x4  }
0x53: {  	v4 =	vld [tilespmem:s19+$0x100];
	v2 =	vadd.s32 v3, v2;
	_ =	sdelay $0x3  }
0x54: {  	s18 =	sor.u32 s29, s18  }
0x55: {  	s18 =	sor.u32 $0x180, s18;
	[tilespmem:v2+s9+$0x0] =	vst.idx.msk $0xffff, v4  }
0x56: {  	v2 =	vld [tilespmem:s18+$0x1000];
	_ =	sdelay $0x4  }
0x57: {  	v4 =	vld [tilespmem:s18+$0x0];
	v2 =	vadd.s32 v3, v2;
	_ =	sdelay $0x4  }
0x58: {  	[tilespmem:v2+s9+$0x0] =	vst.idx.msk $0xffff, v4  }
0x59: {  	v2 =	vld [tilespmem:s19+$0x1200];
	_ =	sdelay $0x4  }
0x5a: {  	v4 =	vld [tilespmem:s19+$0x200];
	v2 =	vadd.s32 v3, v2;
	_ =	sdelay $0x4  }
0x5b: {  	[tilespmem:v2+s9+$0x0] =	vst.idx.msk $0xffff, v4  }
0x5c: {  	v2 =	vld [tilespmem:s19+$0x1280];
	_ =	sdelay $0x4  }
0x5d: {  	v4 =	vld [tilespmem:s19+$0x280];
	v2 =	vadd.s32 v3, v2  }
0x5e: {  	s31 =	sand.u32 $0x7, s15  }
0x5f: {  	s18 =	sshll.u32 s31, $0x4  }
0x60: {  	s18 =	sadd.s32 s16, s18  }
0x61: {  	s18 =	sadd.s32 $0x10, s18  }
0x62: {  	s18 =	sor.u32 $0x300, s18;
	[tilespmem:v2+s9+$0x0] =	vst.idx.msk $0xffff, v4  }
0x63: {  	v2 =	vld [tilespmem:s18+$0x1000];
	_ =	sdelay $0x4  }
0x64: {  	v4 =	vld [tilespmem:s18+$0x0];
	v2 =	vadd.s32 v3, v2;
	_ =	sdelay $0x3  }
0x65: {  	s17 =	sor.u32 s29, s16  }
0x66: {  	s17 =	sor.u32 $0x380, s17;
	[tilespmem:v2+s9+$0x0] =	vst.idx.msk $0xffff, v4  }
0x67: {  	v2 =	vld [tilespmem:s17+$0x1000];
	_ =	sdelay $0x3  }
0x68: {  	s12 =	sadd.s32 $0x2, s12  }
0x69: {  	p0 =	slt.u32 s12, $0x1E;
	v4 =	vld [tilespmem:s17+$0x0];
	v2 =	vadd.s32 v3, v2  }
.Ltmp1:
0x6a: {  	_ = 	snop;
	(pc) =	sbr.rel @p0 .LBB2_4-.Ltmp1, $3  }
0x6b: {  	_ =	sdelay $0x1  }
0x6c: {  	s15 =	sadd.s32 $0x2, s15  }
0x6d: {  	s14 =	sadd.s32 $0x1, s14;
	s13 =	sadd.s32 $0x20, s13;
	s16 =	sadd.s32 $0x100, s16;
	[tilespmem:v2+s9+$0x0] =	vst.idx.msk $0xffff, v4  }
0x6e: {  	s11 =	sadd.s32 $0x1, s11  }
0x6f: {  	p0 =	sne.s32 s11, s6  }
.Ltmp2:
0x70: {  	_ = 	snop;
	(pc) =	sbr.rel @p0 .LBB2_1-.Ltmp2, $4  }
0x71: {  	[hbm4b:s5+s2] =	stream.linear.scatter [tilespmem:s9], [sflag:$0x2], $0x8000, $0x38;
	[tilespmem:$0xA000] =	vst v63  }
0x72: {  	_ =	swait.ge [sflag:s10], $0x8000  }
0x73: {  	[sflag:s10] =	ssyncset.done $0x0  }
0x74: {  	[sflag:s10] =	ssyncadd.s32 $0xFFFF8000  }
0x75: {  	_ =	sfence.sel $0x180000  }
0x76: {  	[bflag:$0x0] =	sbarrier.arrive $0xFFFF  }
0x77: {  	p0 =	sne.s32 s1, $0x0;
	_ =	strace $0x90000047  }
0x78: {  	s0 =	sadd.s32 @!p0 $0x100000, s0;
	[bflag:$0x2] =	sbarrier.arrive $0xFFFF  }
0x79: {  	[sflag:s0] =	ssyncadd.tile.s32 @!p0 $0x1;
	_ =	shalt  }
.Lfunc_end2:
_tile_overlayer_lowered:
.L_overlay_start_2:
0x7a: {  	(tag) =	ssettag $0x2  }
0x7b: {  	s0 =	rddreg [dreg:$0x0];
	s2 =	stileid.u32  }
0x7c: {  	s1 =	rddreg [dreg:$0x1];
	p0 =	sne.s32 s2, $0x0  }
0x7d: {  	s3 =	rddreg [dreg:$0x2];
	[bflag:$0x3] =	sbarrier.arrive $0xFFFF;
	s2 =	simm.s32 @!p0 $0x1C02  }
0x7e: {  	[timem:s3], [sflag:s2] =	dma.local @!p0 [hbm:s0], s1  }
0x7f: {  	s0 =	simm.s32 @!p0 $0x2  }
0x80: {  	_ =	swait.ge @!p0 [sflag:s0], s1  }
0x81: {  	s1 =	ssub.s32 @!p0 $0x0, s1;
	[sflag:s0] =	ssyncset.done @!p0 $0x0  }
0x82: {  	[sflag:s0] =	ssyncadd.s32 @!p0 s1  }
0x83: {  	[bflag:$0x3] =	sbarrier.arrive $0xFFFF  }
0x84: {  	_ =	shalt  }

</sc_bundles>
